<compile_context>
chip_gen: v7x
topology: tpu7x:2x2x1
jax: 0.10.2.dev20260603
libtpu: 0.0.44.dev20260713+nightly
codegen_flags: <defaults>
</compile_context>

<pallas_src>
import functools

import jax
import jax.numpy as jnp
from jax import lax
from jax.experimental import pallas as pl
from jax.experimental.pallas import tpu as pltpu
from jax.experimental.pallas import tpu_sc as plsc

NC = 2
NS = 16
NW = NC * NS
IDX_CHUNK = 128
NPLANE = 8


def _make_sc_gather(F, V, D, B):
    assert B % (8 * NW) == 0
    bpw = B // NW
    nchunk = bpw // IDX_CHUNK
    assert bpw % IDX_CHUNK == 0
    mesh = plsc.VectorSubcoreMesh(core_axis_name="c", subcore_axis_name="s")

    @functools.partial(
        pl.kernel,
        mesh=mesh,
        out_type=jax.ShapeDtypeStruct((B, NPLANE, 128), jnp.float32),
        scratch_types=[
            pltpu.VMEM((bpw,), jnp.int32),
            pltpu.VMEM((bpw, D), jnp.float32),
            pltpu.SemaphoreType.DMA,
        ],
        compiler_params=pltpu.CompilerParams(use_tc_tiling_on_sc=False),
    )
    def sc_gather(table_hbm, idx_hbm, out_hbm, idx_v, rows_v, sem):
        wid = lax.axis_index("s") * NC + lax.axis_index("c")
        base = wid * bpw

        def field_body(f, carry):
            pltpu.sync_copy(idx_hbm.at[pl.ds(f * B + base, bpw)], idx_v)
            cps = [
                pltpu.async_copy(
                    table_hbm.at[idx_v.at[pl.ds(r * IDX_CHUNK, IDX_CHUNK)]],
                    rows_v.at[pl.ds(r * IDX_CHUNK, IDX_CHUNK)],
                    sem,
                )
                for r in range(nchunk)
            ]
            for cp in cps:
                cp.wait()
            pltpu.sync_copy(
                rows_v,
                out_hbm.at[pl.ds(base, bpw), f // 4, pl.ds((f % 4) * D, D)])
            return carry

        lax.fori_loop(0, F, field_body, 0)

    return sc_gather


def _tc_dense(block_b, dense_vals, gat, W_dense, W1d, W1gp, W2, wc_d, wc_fm,
              wc_deep, bc2, n_full, tail_lanes):
    B = gat.shape[0]
    cdims = (((1,), (1,)), ((), ()))

    def body(dv_ref, g_ref, wd_ref, w1d_ref, w1g_ref, w2_ref, wcd_ref,
             wcf_ref, wcdeep_ref, bc_ref, out_ref):
        dv = dv_ref[...]
        dense_feat = lax.dot_general(dv, wd_ref[...], cdims)
        lane = lax.broadcasted_iota(jnp.int32, (block_b, 128), 1)
        pieces = [g_ref[:, j, :] for j in range(n_full)]
        pieces.append(
            jnp.where(lane < tail_lanes, g_ref[:, n_full, :], 0.0))
        s = jnp.sum(dense_feat, axis=1, keepdims=True)
        sq = jnp.sum(dense_feat * dense_feat, axis=1, keepdims=True)
        for x in pieces:
            s = s + jnp.sum(x, axis=1, keepdims=True)
            sq = sq + jnp.sum(x * x, axis=1, keepdims=True)
        fm = 0.5 * (s * s - sq)
        h = lax.dot_general(dense_feat, w1d_ref[...], cdims)
        for j, x in enumerate(pieces):
            h = h + lax.dot_general(x, w1g_ref[:, pl.ds(j * 128, 128)], cdims)
        h = jnp.maximum(h, 0.0)
        deep = jnp.maximum(lax.dot_general(h, w2_ref[...], cdims), 0.0)
        logit = (lax.dot_general(dense_feat, wcd_ref[...], cdims)
                 + fm * wcf_ref[0, 0]
                 + lax.dot_general(deep, wcdeep_ref[...], cdims)
                 + bc_ref[0, 0])
        out_ref[...] = logit

    grid = (B // block_b,)
    const2 = lambda i: (0, 0)
    return pl.pallas_call(
        body,
        grid=grid,
        in_specs=[
            pl.BlockSpec((block_b, dense_vals.shape[1]), lambda i: (i, 0)),
            pl.BlockSpec((block_b, NPLANE, 128), lambda i: (i, 0, 0)),
            pl.BlockSpec(W_dense.shape, const2),
            pl.BlockSpec(W1d.shape, const2),
            pl.BlockSpec(W1gp.shape, const2),
            pl.BlockSpec(W2.shape, const2),
            pl.BlockSpec(wc_d.shape, const2),
            pl.BlockSpec(wc_fm.shape, const2),
            pl.BlockSpec(wc_deep.shape, const2),
            pl.BlockSpec(bc2.shape, const2),
        ],
        out_specs=pl.BlockSpec((block_b, 1), lambda i: (i, 0)),
        out_shape=jax.ShapeDtypeStruct((B, 1), jnp.float32),
    )(dense_vals, gat, W_dense, W1d, W1gp, W2, wc_d, wc_fm, wc_deep, bc2)


def kernel(dense_vals, W_emb, W_dense, W1, W2, Wc, bc, sparse_idx):
    F, V, D = W_emb.shape
    B = dense_vals.shape[0]
    H1 = W1.shape[0]
    table = W_emb.reshape(F * V, D)
    flat_idx = (sparse_idx + (jnp.arange(F, dtype=jnp.int32) * V)[:, None]
                ).reshape(F * B)

    gat = _make_sc_gather(F, V, D, B)(table, flat_idx)

    fd = F * D
    n_full = fd // 128
    tail_lanes = fd - n_full * 128
    W1d = W1[:, :D]
    W1gp = jnp.pad(W1[:, D:], ((0, 0), (0, (n_full + 1) * 128 - fd)))
    wc_d = Wc[:, :D]
    wc_fm = Wc[:, D:D + 1]
    wc_deep = Wc[:, D + 1:]
    bc2 = bc.reshape(1, 1)
    return _tc_dense(512, dense_vals, gat, W_dense, W1d, W1gp, W2,
                     wc_d, wc_fm, wc_deep, bc2, n_full, tail_lanes)

# --- scband reference (transcript-rebuilt; emitter-appended) ---
"""Pipeline reference for scband-deep-fm-1030792151641 (READ-ONLY COPY).

The authoritative reference and input builder live on the scoring server;
editing this copy changes nothing except your own understanding.
"""

import jax, jax.numpy as jnp
import numpy as np

F = 26
D_DENSE = 13
B = 16384
V = 100000
LATENT = 32
H1, H2 = 256, 128

def setup_inputs(seed: int = 0) -> dict:
    key = jax.random.key(seed)
    ks = jax.random.split(key, 10)
    sparse_idx = jax.random.randint(ks[0], (F, B), 0, V, dtype=jnp.int32)
    dense_vals = jax.random.normal(ks[1], (B, D_DENSE), dtype=jnp.float32)
    # learned params
    W_emb = jax.random.normal(ks[2], (F, V, LATENT), dtype=jnp.float32) * 0.01
    W_dense = jax.random.normal(ks[3], (LATENT, D_DENSE), dtype=jnp.float32) * 0.1
    in_feat = (F + 1) * LATENT
    W1 = jax.random.normal(ks[4], (H1, in_feat), dtype=jnp.float32) * (1.0 / np.sqrt(in_feat))
    W2 = jax.random.normal(ks[5], (H2, H1), dtype=jnp.float32) * (1.0 / np.sqrt(H1))
    Wc = jax.random.normal(ks[6], (1, LATENT + H2 + 1), dtype=jnp.float32) * 0.1
    bc = jnp.zeros((1,), dtype=jnp.float32)
    return {"dense_vals": dense_vals, "W_emb": W_emb, "W_dense": W_dense,
            "W1": W1, "W2": W2, "Wc": Wc, "bc": bc, "sparse_idx": sparse_idx}

def reference(dense_vals, W_emb, W_dense, W1, W2, Wc, bc, sparse_idx):
    # dense arch: Linear(13 -> 32, no bias)
    dense_feat = dense_vals @ W_dense.T  # [B, 32]
    # embedding lookups per sparse field: gather from each table
    gathered = jax.vmap(lambda tbl, idx: jnp.take(tbl, idx, axis=0))(W_emb, sparse_idx)  # [F, B, 32]
    gathered = jnp.transpose(gathered, (1, 0, 2)).reshape(B, F * LATENT)  # [B, F*32]
    embeddings = jnp.concatenate([dense_feat, gathered], axis=1)  # [B, (F+1)*32]
    # FM (applied over flattened embedding dim, faithful to original)
    s = jnp.sum(embeddings, axis=1, keepdims=True)
    sum_of_square = s ** 2
    squares_of_sum = jnp.sum(embeddings ** 2, axis=1, keepdims=True)
    fm_out = jnp.sum(0.5 * (sum_of_square - squares_of_sum), axis=1, keepdims=True)  # [B, 1]
    # Deep MLP
    h = jax.nn.relu(embeddings @ W1.T)
    deep_out = jax.nn.relu(h @ W2.T)  # [B, 128]
    interactions = jnp.concatenate([dense_feat, fm_out, deep_out], axis=1)  # [B, 161]
    logits = interactions @ Wc.T + bc  # [B, 1]
    return logits

if __name__ == "__main__":
    import jax
    _d = setup_inputs()
    print(jax.jit(kernel)(*tuple(_d.values())))

</pallas_src>

<mosaic_0001>
#map = affine_map<(d0, d1) -> (0, 0)>
#map1 = affine_map<(d0, d1) -> (0)>
#map2 = affine_map<(d0, d1) -> (0, 0, 0)>
module attributes {stable_mosaic.version = 14 : i64} {
  func.func @sc_gather(%arg0: i32, %arg1: i32, %arg2: memref<2600000x32xf32, #tpu.memory_space<hbm>>, %arg3: memref<425984xi32, #tpu.memory_space<hbm>>, %arg4: memref<16384x8x128xf32, #tpu.memory_space<hbm>>, %arg5: memref<512xi32, #tpu.memory_space<vmem>>, %arg6: memref<512x32xf32, #tpu.memory_space<vmem>>, %arg7: memref<!tpu.dma_semaphore, #tpu.memory_space<semaphore_mem>>) attributes {dimension_semantics = [#tpu.dimension_semantics<core_parallel>, #tpu.dimension_semantics<subcore_parallel>], iteration_bounds = array<i64: 2, 16>, scalar_prefetch = 0 : i64, scratch_operands = 3 : i64, tpu.core_type = #tpu.core_type<sc_vector_subcore>, window_params = [{transform_indices = #map}, {transform_indices = #map1}, {transform_indices = #map2}]} {
    %mul3A = arith.constant 2 : i32
    %mul3A_0 = arith.muli %arg1, %mul3A : i32
    %add3A = arith.addi %mul3A_0, %arg0 : i32
    %mul3A_1 = arith.constant 512 : i32
    %mul3A_2 = arith.muli %add3A, %mul3A_1 : i32
    %scan3A = arith.constant 0 : i32
    %scan3A_3 = arith.constant 0 : i32
    %scan3A_4 = arith.constant 26 : i32
    %scan3A_5 = arith.addi %scan3A_3, %scan3A_4 : i32
    %scan3A_6 = arith.constant 1 : i32
    scf.for %scan3A_8 = %scan3A_3 to %scan3A_5 step %scan3A_6  : i32 {
      %mul3A_9 = arith.constant 16384 : i32
      %mul3A_10 = arith.muli %scan3A_8, %mul3A_9 : i32
      %add3A_11 = arith.addi %mul3A_10, %mul3A_2 : i32
      "tpu.region"() ({
        %run_scoped3A = tpu.sem_alloc : memref<!tpu.dma_semaphore, #tpu.memory_space<semaphore_mem>>
        %dma_start3A_106 = tpu.memref_slice %arg3[%add3A_11] : memref<425984xi32, #tpu.memory_space<hbm>> -> memref<512xi32, #tpu.memory_space<hbm>>
        %dma_start3A_107 = tpu.memref_slice %arg3[%add3A_11] : memref<425984xi32, #tpu.memory_space<hbm>> -> memref<512xi32, #tpu.memory_space<hbm>>
        tpu.enqueue_dma source(%dma_start3A_107 : memref<512xi32, #tpu.memory_space<hbm>>) target(%arg5 : memref<512xi32, #tpu.memory_space<vmem>>) target_semaphore(%run_scoped3A : memref<!tpu.dma_semaphore, #tpu.memory_space<semaphore_mem>>)
        %dma_wait3A_108 = tpu.memref_slice %arg3[%add3A_11] : memref<425984xi32, #tpu.memory_space<hbm>> -> memref<512xi32, #tpu.memory_space<hbm>>
        %dma_wait3A_109 = tpu.memref_slice %arg3[%add3A_11] : memref<425984xi32, #tpu.memory_space<hbm>> -> memref<512xi32, #tpu.memory_space<hbm>>
        tpu.wait_dma2 semaphore(%run_scoped3A : memref<!tpu.dma_semaphore, #tpu.memory_space<semaphore_mem>>) src(%dma_wait3A_109 : memref<512xi32, #tpu.memory_space<hbm>>) dst(%arg5 : memref<512xi32, #tpu.memory_space<vmem>>)
        tpu.yield
      }) : () -> ()
      %dma_start3A = arith.constant 0 : i32
      %dma_start3A_12 = arith.constant 0 : i32
      %dma_start3A_13 = tpu.memref_slice %arg6[%dma_start3A, %dma_start3A_12] : memref<512x32xf32, #tpu.memory_space<vmem>> -> memref<128x32xf32, #tpu.memory_space<vmem>>
      %dma_start3A_14 = arith.constant 0 : i32
      %dma_start3A_15 = tpu.memref_slice %arg5[%dma_start3A_14] : memref<512xi32, #tpu.memory_space<vmem>> -> memref<128xi32, #tpu.memory_space<vmem>>
      %dma_start3A_16 = arith.constant 0 : i32
      %dma_start3A_17 = arith.constant 0 : i32
      %dma_start3A_18 = tpu.memref_slice %arg2[%dma_start3A_16, %dma_start3A_17] : memref<2600000x32xf32, #tpu.memory_space<hbm>> -> memref<2600000x32xf32, #tpu.memory_space<hbm>>
      tpu.enqueue_indirect_dma source(%dma_start3A_18 : memref<2600000x32xf32, #tpu.memory_space<hbm>>) target(%dma_start3A_13 : memref<128x32xf32, #tpu.memory_space<vmem>>) offsets(%dma_start3A_15 : memref<128xi32, #tpu.memory_space<vmem>>) semaphore(%arg7 : memref<!tpu.dma_semaphore, #tpu.memory_space<semaphore_mem>>)
      %dma_start3A_19 = arith.constant 128 : i32
      %dma_start3A_20 = arith.constant 0 : i32
      %dma_start3A_21 = tpu.memref_slice %arg6[%dma_start3A_19, %dma_start3A_20] : memref<512x32xf32, #tpu.memory_space<vmem>> -> memref<128x32xf32, #tpu.memory_space<vmem>>
      %dma_start3A_22 = arith.constant 128 : i32
      %dma_start3A_23 = tpu.memref_slice %arg5[%dma_start3A_22] : memref<512xi32, #tpu.memory_space<vmem>> -> memref<128xi32, #tpu.memory_space<vmem>>
      %dma_start3A_24 = arith.constant 0 : i32
      %dma_start3A_25 = arith.constant 0 : i32
      %dma_start3A_26 = tpu.memref_slice %arg2[%dma_start3A_24, %dma_start3A_25] : memref<2600000x32xf32, #tpu.memory_space<hbm>> -> memref<2600000x32xf32, #tpu.memory_space<hbm>>
      tpu.enqueue_indirect_dma source(%dma_start3A_26 : memref<2600000x32xf32, #tpu.memory_space<hbm>>) target(%dma_start3A_21 : memref<128x32xf32, #tpu.memory_space<vmem>>) offsets(%dma_start3A_23 : memref<128xi32, #tpu.memory_space<vmem>>) semaphore(%arg7 : memref<!tpu.dma_semaphore, #tpu.memory_space<semaphore_mem>>)
      %dma_start3A_27 = arith.constant 256 : i32
      %dma_start3A_28 = arith.constant 0 : i32
      %dma_start3A_29 = tpu.memref_slice %arg6[%dma_start3A_27, %dma_start3A_28] : memref<512x32xf32, #tpu.memory_space<vmem>> -> memref<128x32xf32, #tpu.memory_space<vmem>>
      %dma_start3A_30 = arith.constant 256 : i32
      %dma_start3A_31 = tpu.memref_slice %arg5[%dma_start3A_30] : memref<512xi32, #tpu.memory_space<vmem>> -> memref<128xi32, #tpu.memory_space<vmem>>
      %dma_start3A_32 = arith.constant 0 : i32
      %dma_start3A_33 = arith.constant 0 : i32
      %dma_start3A_34 = tpu.memref_slice %arg2[%dma_start3A_32, %dma_start3A_33] : memref<2600000x32xf32, #tpu.memory_space<hbm>> -> memref<2600000x32xf32, #tpu.memory_space<hbm>>
      tpu.enqueue_indirect_dma source(%dma_start3A_34 : memref<2600000x32xf32, #tpu.memory_space<hbm>>) target(%dma_start3A_29 : memref<128x32xf32, #tpu.memory_space<vmem>>) offsets(%dma_start3A_31 : memref<128xi32, #tpu.memory_space<vmem>>) semaphore(%arg7 : memref<!tpu.dma_semaphore, #tpu.memory_space<semaphore_mem>>)
      %dma_start3A_35 = arith.constant 384 : i32
      %dma_start3A_36 = arith.constant 0 : i32
      %dma_start3A_37 = tpu.memref_slice %arg6[%dma_start3A_35, %dma_start3A_36] : memref<512x32xf32, #tpu.memory_space<vmem>> -> memref<128x32xf32, #tpu.memory_space<vmem>>
      %dma_start3A_38 = arith.constant 384 : i32
      %dma_start3A_39 = tpu.memref_slice %arg5[%dma_start3A_38] : memref<512xi32, #tpu.memory_space<vmem>> -> memref<128xi32, #tpu.memory_space<vmem>>
      %dma_start3A_40 = arith.constant 0 : i32
      %dma_start3A_41 = arith.constant 0 : i32
      %dma_start3A_42 = tpu.memref_slice %arg2[%dma_start3A_40, %dma_start3A_41] : memref<2600000x32xf32, #tpu.memory_space<hbm>> -> memref<2600000x32xf32, #tpu.memory_space<hbm>>
      tpu.enqueue_indirect_dma source(%dma_start3A_42 : memref<2600000x32xf32, #tpu.memory_space<hbm>>) target(%dma_start3A_37 : memref<128x32xf32, #tpu.memory_space<vmem>>) offsets(%dma_start3A_39 : memref<128xi32, #tpu.memory_space<vmem>>) semaphore(%arg7 : memref<!tpu.dma_semaphore, #tpu.memory_space<semaphore_mem>>)
      %dma_wait3A = arith.constant 0 : i32
      %dma_wait3A_43 = arith.constant 0 : i32
      %dma_wait3A_44 = tpu.memref_slice %arg6[%dma_wait3A, %dma_wait3A_43] : memref<512x32xf32, #tpu.memory_space<vmem>> -> memref<128x32xf32, #tpu.memory_space<vmem>>
      %dma_wait3A_45 = arith.constant 0 : i32
      %dma_wait3A_46 = tpu.memref_slice %arg5[%dma_wait3A_45] : memref<512xi32, #tpu.memory_space<vmem>> -> memref<128xi32, #tpu.memory_space<vmem>>
      %dma_wait3A_47 = arith.constant 0 : i32
      %dma_wait3A_48 = arith.constant 0 : i32
      %dma_wait3A_49 = tpu.memref_slice %arg2[%dma_wait3A_47, %dma_wait3A_48] : memref<2600000x32xf32, #tpu.memory_space<hbm>> -> memref<2600000x32xf32, #tpu.memory_space<hbm>>
      tpu.wait_indirect_dma semaphore(%arg7 : memref<!tpu.dma_semaphore, #tpu.memory_space<semaphore_mem>>) src(%dma_wait3A_49 : memref<2600000x32xf32, #tpu.memory_space<hbm>>) dst(%dma_wait3A_44 : memref<128x32xf32, #tpu.memory_space<vmem>>)
      %dma_wait3A_50 = arith.constant 128 : i32
      %dma_wait3A_51 = arith.constant 0 : i32
      %dma_wait3A_52 = tpu.memref_slice %arg6[%dma_wait3A_50, %dma_wait3A_51] : memref<512x32xf32, #tpu.memory_space<vmem>> -> memref<128x32xf32, #tpu.memory_space<vmem>>
      %dma_wait3A_53 = arith.constant 128 : i32
      %dma_wait3A_54 = tpu.memref_slice %arg5[%dma_wait3A_53] : memref<512xi32, #tpu.memory_space<vmem>> -> memref<128xi32, #tpu.memory_space<vmem>>
      %dma_wait3A_55 = arith.constant 0 : i32
      %dma_wait3A_56 = arith.constant 0 : i32
      %dma_wait3A_57 = tpu.memref_slice %arg2[%dma_wait3A_55, %dma_wait3A_56] : memref<2600000x32xf32, #tpu.memory_space<hbm>> -> memref<2600000x32xf32, #tpu.memory_space<hbm>>
      tpu.wait_indirect_dma semaphore(%arg7 : memref<!tpu.dma_semaphore, #tpu.memory_space<semaphore_mem>>) src(%dma_wait3A_57 : memref<2600000x32xf32, #tpu.memory_space<hbm>>) dst(%dma_wait3A_52 : memref<128x32xf32, #tpu.memory_space<vmem>>)
      %dma_wait3A_58 = arith.constant 256 : i32
      %dma_wait3A_59 = arith.constant 0 : i32
      %dma_wait3A_60 = tpu.memref_slice %arg6[%dma_wait3A_58, %dma_wait3A_59] : memref<512x32xf32, #tpu.memory_space<vmem>> -> memref<128x32xf32, #tpu.memory_space<vmem>>
      %dma_wait3A_61 = arith.constant 256 : i32
      %dma_wait3A_62 = tpu.memref_slice %arg5[%dma_wait3A_61] : memref<512xi32, #tpu.memory_space<vmem>> -> memref<128xi32, #tpu.memory_space<vmem>>
      %dma_wait3A_63 = arith.constant 0 : i32
      %dma_wait3A_64 = arith.constant 0 : i32
      %dma_wait3A_65 = tpu.memref_slice %arg2[%dma_wait3A_63, %dma_wait3A_64] : memref<2600000x32xf32, #tpu.memory_space<hbm>> -> memref<2600000x32xf32, #tpu.memory_space<hbm>>
      tpu.wait_indirect_dma semaphore(%arg7 : memref<!tpu.dma_semaphore, #tpu.memory_space<semaphore_mem>>) src(%dma_wait3A_65 : memref<2600000x32xf32, #tpu.memory_space<hbm>>) dst(%dma_wait3A_60 : memref<128x32xf32, #tpu.memory_space<vmem>>)
      %dma_wait3A_66 = arith.constant 384 : i32
      %dma_wait3A_67 = arith.constant 0 : i32
      %dma_wait3A_68 = tpu.memref_slice %arg6[%dma_wait3A_66, %dma_wait3A_67] : memref<512x32xf32, #tpu.memory_space<vmem>> -> memref<128x32xf32, #tpu.memory_space<vmem>>
      %dma_wait3A_69 = arith.constant 384 : i32
      %dma_wait3A_70 = tpu.memref_slice %arg5[%dma_wait3A_69] : memref<512xi32, #tpu.memory_space<vmem>> -> memref<128xi32, #tpu.memory_space<vmem>>
      %dma_wait3A_71 = arith.constant 0 : i32
      %dma_wait3A_72 = arith.constant 0 : i32
      %dma_wait3A_73 = tpu.memref_slice %arg2[%dma_wait3A_71, %dma_wait3A_72] : memref<2600000x32xf32, #tpu.memory_space<hbm>> -> memref<2600000x32xf32, #tpu.memory_space<hbm>>
      tpu.wait_indirect_dma semaphore(%arg7 : memref<!tpu.dma_semaphore, #tpu.memory_space<semaphore_mem>>) src(%dma_wait3A_73 : memref<2600000x32xf32, #tpu.memory_space<hbm>>) dst(%dma_wait3A_68 : memref<128x32xf32, #tpu.memory_space<vmem>>)
      %jit3A = arith.constant 4 : i32
      %div3A = arith.divsi %scan3A_8, %jit3A : i32
      %sign3A = arith.constant 0 : i32
      %sign3A_74 = arith.cmpi sgt, %scan3A_8, %sign3A : i32
      %sign3A_75 = arith.extui %sign3A_74 : i1 to i32
      %sign3A_76 = arith.constant 0 : i32
      %sign3A_77 = arith.cmpi slt, %scan3A_8, %sign3A_76 : i32
      %sign3A_78 = arith.extui %sign3A_77 : i1 to i32
      %sign3A_79 = arith.subi %sign3A_75, %sign3A_78 : i32
      %sign3A_80 = arith.constant 0 : i32
      %sign3A_81 = arith.cmpi sgt, %jit3A, %sign3A_80 : i32
      %sign3A_82 = arith.extui %sign3A_81 : i1 to i32
      %sign3A_83 = arith.constant 0 : i32
      %sign3A_84 = arith.cmpi slt, %jit3A, %sign3A_83 : i32
      %sign3A_85 = arith.extui %sign3A_84 : i1 to i32
      %sign3A_86 = arith.subi %sign3A_82, %sign3A_85 : i32
      %ne3A = arith.cmpi ne, %sign3A_79, %sign3A_86 : i32
      %rem3A = arith.remsi %scan3A_8, %jit3A : i32
      %ne3A_87 = arith.constant 0 : i32
      %ne3A_88 = arith.cmpi ne, %rem3A, %ne3A_87 : i32
      %and3A = arith.andi %ne3A, %ne3A_88 : i1
      %sub3A = arith.constant 1 : i32
      %sub3A_89 = arith.subi %div3A, %sub3A : i32
      %select_n3A = arith.select %and3A, %sub3A_89, %div3A : i32
      %jit3A_90 = arith.constant 4 : i32
      %eq3A = arith.constant 0 : i32
      %eq3A_91 = arith.cmpi eq, %jit3A_90, %eq3A : i32
      %jit3A_92 = arith.constant 1 : i32
      %select_n3A_93 = arith.select %eq3A_91, %jit3A_92, %jit3A_90 : i32
      %rem3A_94 = arith.remsi %scan3A_8, %select_n3A_93 : i32
      %ne3A_95 = arith.constant 0 : i32
      %ne3A_96 = arith.cmpi ne, %rem3A_94, %ne3A_95 : i32
      %lt3A = arith.constant 0 : i32
      %lt3A_97 = arith.cmpi slt, %rem3A_94, %lt3A : i32
      %lt3A_98 = arith.constant 0 : i32
      %lt3A_99 = arith.cmpi slt, %select_n3A_93, %lt3A_98 : i32
      %ne3A_100 = arith.xori %lt3A_97, %lt3A_99 : i1
      %and3A_101 = arith.andi %ne3A_100, %ne3A_96 : i1
      %add3A_102 = arith.addi %rem3A_94, %select_n3A_93 : i32
      %select_n3A_103 = arith.select %and3A_101, %add3A_102, %rem3A_94 : i32
      %mul3A_104 = arith.constant 32 : i32
      %mul3A_105 = arith.muli %select_n3A_103, %mul3A_104 : i32
      "tpu.region"() ({
        %run_scoped3A = tpu.sem_alloc : memref<!tpu.dma_semaphore, #tpu.memory_space<semaphore_mem>>
        %dma_start3A_106 = tpu.memref_slice %arg4[%mul3A_2, %select_n3A, %mul3A_105] : memref<16384x8x128xf32, #tpu.memory_space<hbm>> -> memref<512x1x32xf32, #tpu.memory_space<hbm>>
        %dma_start3A_107 = tpu.memref_squeeze %dma_start3A_106 : memref<512x1x32xf32, #tpu.memory_space<hbm>> -> memref<512x32xf32, #tpu.memory_space<hbm>>
        %dma_start3A_108 = tpu.memref_slice %arg4[%mul3A_2, %select_n3A, %mul3A_105] : memref<16384x8x128xf32, #tpu.memory_space<hbm>> -> memref<512x1x32xf32, #tpu.memory_space<hbm>>
        %dma_start3A_109 = tpu.memref_squeeze %dma_start3A_108 : memref<512x1x32xf32, #tpu.memory_space<hbm>> -> memref<512x32xf32, #tpu.memory_space<hbm>>
        tpu.enqueue_dma source(%arg6 : memref<512x32xf32, #tpu.memory_space<vmem>>) target(%dma_start3A_109 : memref<512x32xf32, #tpu.memory_space<hbm>>) target_semaphore(%run_scoped3A : memref<!tpu.dma_semaphore, #tpu.memory_space<semaphore_mem>>)
        %dma_wait3A_110 = tpu.memref_slice %arg4[%mul3A_2, %select_n3A, %mul3A_105] : memref<16384x8x128xf32, #tpu.memory_space<hbm>> -> memref<512x1x32xf32, #tpu.memory_space<hbm>>
        %dma_wait3A_111 = tpu.memref_squeeze %dma_wait3A_110 : memref<512x1x32xf32, #tpu.memory_space<hbm>> -> memref<512x32xf32, #tpu.memory_space<hbm>>
        %dma_wait3A_112 = tpu.memref_slice %arg4[%mul3A_2, %select_n3A, %mul3A_105] : memref<16384x8x128xf32, #tpu.memory_space<hbm>> -> memref<512x1x32xf32, #tpu.memory_space<hbm>>
        %dma_wait3A_113 = tpu.memref_squeeze %dma_wait3A_112 : memref<512x1x32xf32, #tpu.memory_space<hbm>> -> memref<512x32xf32, #tpu.memory_space<hbm>>
        tpu.wait_dma2 semaphore(%run_scoped3A : memref<!tpu.dma_semaphore, #tpu.memory_space<semaphore_mem>>) src(%arg6 : memref<512x32xf32, #tpu.memory_space<vmem>>) dst(%dma_wait3A_113 : memref<512x32xf32, #tpu.memory_space<hbm>>)
        tpu.yield
      }) : () -> ()
    }
    %scan3A_7 = arith.constant 26 : i32
    return
  }
}

module attributes {stable_mosaic.version = 14 : i64} {
  func.func @body(%arg0: i32, %arg1: memref<512x13xf32, #tpu.memory_space<vmem>>, %arg2: memref<512x8x128xf32, #tpu.memory_space<vmem>>, %arg3: memref<32x13xf32, #tpu.memory_space<vmem>>, %arg4: memref<256x32xf32, #tpu.memory_space<vmem>>, %arg5: memref<256x896xf32, #tpu.memory_space<vmem>>, %arg6: memref<128x256xf32, #tpu.memory_space<vmem>>, %arg7: memref<1x32xf32, #tpu.memory_space<vmem>>, %arg8: memref<1x1xf32, #tpu.memory_space<vmem>>, %arg9: memref<1x128xf32, #tpu.memory_space<vmem>>, %arg10: memref<1x1xf32, #tpu.memory_space<vmem>>, %arg11: memref<512x1xf32, #tpu.memory_space<vmem>>) attributes {dimension_semantics = [#tpu.dimension_semantics<arbitrary>], iteration_bounds = array<i64: 32>, scalar_prefetch = 0 : i64, scratch_operands = 0 : i64, tpu.core_type = #tpu.core_type<tc>, window_params = [{transform_indices = @transform_0, window_bounds = array<i64: 512, 13>}, {transform_indices = @transform_1, window_bounds = array<i64: 512, 8, 128>}, {pipeline_mode = #tpu.pipeline_mode<synchronous>, transform_indices = @transform_2, window_bounds = array<i64: 32, 13>}, {pipeline_mode = #tpu.pipeline_mode<synchronous>, transform_indices = @transform_3, window_bounds = array<i64: 256, 32>}, {pipeline_mode = #tpu.pipeline_mode<synchronous>, transform_indices = @transform_4, window_bounds = array<i64: 256, 896>}, {pipeline_mode = #tpu.pipeline_mode<synchronous>, transform_indices = @transform_5, window_bounds = array<i64: 128, 256>}, {pipeline_mode = #tpu.pipeline_mode<synchronous>, transform_indices = @transform_6, window_bounds = array<i64: 1, 32>}, {pipeline_mode = #tpu.pipeline_mode<synchronous>, transform_indices = @transform_7, window_bounds = array<i64: 1, 1>}, {pipeline_mode = #tpu.pipeline_mode<synchronous>, transform_indices = @transform_8, window_bounds = array<i64: 1, 128>}, {pipeline_mode = #tpu.pipeline_mode<synchronous>, transform_indices = @transform_9, window_bounds = array<i64: 1, 1>}, {transform_indices = @transform_10, window_bounds = array<i64: 512, 1>}]} {
    %get3A = arith.constant 0 : index
    %get3A_0 = arith.constant 0 : index
    %get3A_1 = vector.load %arg1[%get3A, %get3A_0] : memref<512x13xf32, #tpu.memory_space<vmem>>, vector<512x13xf32>
    %get3A_2 = arith.constant 0 : index
    %get3A_3 = arith.constant 0 : index
    %get3A_4 = vector.load %arg3[%get3A_2, %get3A_3] : memref<32x13xf32, #tpu.memory_space<vmem>>, vector<32x13xf32>
    %dot_general3A = arith.constant dense<0.000000e+00> : vector<512x32xf32>
    %dot_general3A_5 = tpu.matmul %get3A_1, %get3A_4, %dot_general3A {dimension_numbers = #tpu.dot_dimension_numbers<[1], [1], [0], [0], [0, 0, 1, 0], [], []>, transpose_lhs_hint = false} : vector<512x13xf32>, vector<32x13xf32>, vector<512x32xf32> -> vector<512x32xf32>
    %iota3A = tpu.iota {dimensions = array<i32: 1>} : vector<512x128xi32>
    %get3A_6 = arith.constant 0 : index
    %get3A_7 = arith.constant 0 : index
    %get3A_8 = arith.constant 0 : index
    %get3A_9 = vector.load %arg2[%get3A_6, %get3A_7, %get3A_8] : memref<512x8x128xf32, #tpu.memory_space<vmem>>, vector<512x1x128xf32>
    %get3A_10 = vector.shape_cast %get3A_9 : vector<512x1x128xf32> to vector<512x128xf32>
    %get3A_11 = arith.constant 0 : index
    %get3A_12 = arith.constant 1 : index
    %get3A_13 = arith.constant 0 : index
    %get3A_14 = vector.load %arg2[%get3A_11, %get3A_12, %get3A_13] : memref<512x8x128xf32, #tpu.memory_space<vmem>>, vector<512x1x128xf32>
    %get3A_15 = vector.shape_cast %get3A_14 : vector<512x1x128xf32> to vector<512x128xf32>
    %get3A_16 = arith.constant 0 : index
    %get3A_17 = arith.constant 2 : index
    %get3A_18 = arith.constant 0 : index
    %get3A_19 = vector.load %arg2[%get3A_16, %get3A_17, %get3A_18] : memref<512x8x128xf32, #tpu.memory_space<vmem>>, vector<512x1x128xf32>
    %get3A_20 = vector.shape_cast %get3A_19 : vector<512x1x128xf32> to vector<512x128xf32>
    %get3A_21 = arith.constant 0 : index
    %get3A_22 = arith.constant 3 : index
    %get3A_23 = arith.constant 0 : index
    %get3A_24 = vector.load %arg2[%get3A_21, %get3A_22, %get3A_23] : memref<512x8x128xf32, #tpu.memory_space<vmem>>, vector<512x1x128xf32>
    %get3A_25 = vector.shape_cast %get3A_24 : vector<512x1x128xf32> to vector<512x128xf32>
    %get3A_26 = arith.constant 0 : index
    %get3A_27 = arith.constant 4 : index
    %get3A_28 = arith.constant 0 : index
    %get3A_29 = vector.load %arg2[%get3A_26, %get3A_27, %get3A_28] : memref<512x8x128xf32, #tpu.memory_space<vmem>>, vector<512x1x128xf32>
    %get3A_30 = vector.shape_cast %get3A_29 : vector<512x1x128xf32> to vector<512x128xf32>
    %get3A_31 = arith.constant 0 : index
    %get3A_32 = arith.constant 5 : index
    %get3A_33 = arith.constant 0 : index
    %get3A_34 = vector.load %arg2[%get3A_31, %get3A_32, %get3A_33] : memref<512x8x128xf32, #tpu.memory_space<vmem>>, vector<512x1x128xf32>
    %get3A_35 = vector.shape_cast %get3A_34 : vector<512x1x128xf32> to vector<512x128xf32>
    %lt3A = arith.constant 64 : i32
    %lt3A_36 = vector.broadcast %lt3A : i32 to vector<512x128xi32>
    %lt3A_37 = arith.cmpi slt, %iota3A, %lt3A_36 : vector<512x128xi32>
    %get3A_38 = arith.constant 0 : index
    %get3A_39 = arith.constant 6 : index
    %get3A_40 = arith.constant 0 : index
    %get3A_41 = vector.load %arg2[%get3A_38, %get3A_39, %get3A_40] : memref<512x8x128xf32, #tpu.memory_space<vmem>>, vector<512x1x128xf32>
    %get3A_42 = vector.shape_cast %get3A_41 : vector<512x1x128xf32> to vector<512x128xf32>
    %jit3A = arith.constant 0.000000e+00 : f32
    %broadcast_in_dim3A = vector.broadcast %jit3A : f32 to vector<512x128xf32>
    %select_n3A = arith.select %lt3A_37, %get3A_42, %broadcast_in_dim3A : vector<512x128xi1>, vector<512x128xf32>
    %reduce_sum3A = arith.constant dense<0.000000e+00> : vector<512xf32>
    %reduce_sum3A_43 = vector.multi_reduction <add>, %dot_general3A_5, %reduce_sum3A [1] : vector<512x32xf32> to vector<512xf32>
    %broadcast_in_dim3A_44 = vector.shape_cast %reduce_sum3A_43 : vector<512xf32> to vector<512x1xf32>
    %mul3A = arith.mulf %dot_general3A_5, %dot_general3A_5 : vector<512x32xf32>
    %reduce_sum3A_45 = arith.constant dense<0.000000e+00> : vector<512xf32>
    %reduce_sum3A_46 = vector.multi_reduction <add>, %mul3A, %reduce_sum3A_45 [1] : vector<512x32xf32> to vector<512xf32>
    %broadcast_in_dim3A_47 = vector.shape_cast %reduce_sum3A_46 : vector<512xf32> to vector<512x1xf32>
    %reduce_sum3A_48 = arith.constant dense<0.000000e+00> : vector<512xf32>
    %reduce_sum3A_49 = vector.multi_reduction <add>, %get3A_10, %reduce_sum3A_48 [1] : vector<512x128xf32> to vector<512xf32>
    %broadcast_in_dim3A_50 = vector.shape_cast %reduce_sum3A_49 : vector<512xf32> to vector<512x1xf32>
    %add3A = arith.addf %broadcast_in_dim3A_44, %broadcast_in_dim3A_50 : vector<512x1xf32>
    %mul3A_51 = arith.mulf %get3A_10, %get3A_10 : vector<512x128xf32>
    %reduce_sum3A_52 = arith.constant dense<0.000000e+00> : vector<512xf32>
    %reduce_sum3A_53 = vector.multi_reduction <add>, %mul3A_51, %reduce_sum3A_52 [1] : vector<512x128xf32> to vector<512xf32>
    %broadcast_in_dim3A_54 = vector.shape_cast %reduce_sum3A_53 : vector<512xf32> to vector<512x1xf32>
    %add3A_55 = arith.addf %broadcast_in_dim3A_47, %broadcast_in_dim3A_54 : vector<512x1xf32>
    %reduce_sum3A_56 = arith.constant dense<0.000000e+00> : vector<512xf32>
    %reduce_sum3A_57 = vector.multi_reduction <add>, %get3A_15, %reduce_sum3A_56 [1] : vector<512x128xf32> to vector<512xf32>
    %broadcast_in_dim3A_58 = vector.shape_cast %reduce_sum3A_57 : vector<512xf32> to vector<512x1xf32>
    %add3A_59 = arith.addf %add3A, %broadcast_in_dim3A_58 : vector<512x1xf32>
    %mul3A_60 = arith.mulf %get3A_15, %get3A_15 : vector<512x128xf32>
    %reduce_sum3A_61 = arith.constant dense<0.000000e+00> : vector<512xf32>
    %reduce_sum3A_62 = vector.multi_reduction <add>, %mul3A_60, %reduce_sum3A_61 [1] : vector<512x128xf32> to vector<512xf32>
    %broadcast_in_dim3A_63 = vector.shape_cast %reduce_sum3A_62 : vector<512xf32> to vector<512x1xf32>
    %add3A_64 = arith.addf %add3A_55, %broadcast_in_dim3A_63 : vector<512x1xf32>
    %reduce_sum3A_65 = arith.constant dense<0.000000e+00> : vector<512xf32>
    %reduce_sum3A_66 = vector.multi_reduction <add>, %get3A_20, %reduce_sum3A_65 [1] : vector<512x128xf32> to vector<512xf32>
    %broadcast_in_dim3A_67 = vector.shape_cast %reduce_sum3A_66 : vector<512xf32> to vector<512x1xf32>
    %add3A_68 = arith.addf %add3A_59, %broadcast_in_dim3A_67 : vector<512x1xf32>
    %mul3A_69 = arith.mulf %get3A_20, %get3A_20 : vector<512x128xf32>
    %reduce_sum3A_70 = arith.constant dense<0.000000e+00> : vector<512xf32>
    %reduce_sum3A_71 = vector.multi_reduction <add>, %mul3A_69, %reduce_sum3A_70 [1] : vector<512x128xf32> to vector<512xf32>
    %broadcast_in_dim3A_72 = vector.shape_cast %reduce_sum3A_71 : vector<512xf32> to vector<512x1xf32>
    %add3A_73 = arith.addf %add3A_64, %broadcast_in_dim3A_72 : vector<512x1xf32>
    %reduce_sum3A_74 = arith.constant dense<0.000000e+00> : vector<512xf32>
    %reduce_sum3A_75 = vector.multi_reduction <add>, %get3A_25, %reduce_sum3A_74 [1] : vector<512x128xf32> to vector<512xf32>
    %broadcast_in_dim3A_76 = vector.shape_cast %reduce_sum3A_75 : vector<512xf32> to vector<512x1xf32>
    %add3A_77 = arith.addf %add3A_68, %broadcast_in_dim3A_76 : vector<512x1xf32>
    %mul3A_78 = arith.mulf %get3A_25, %get3A_25 : vector<512x128xf32>
    %reduce_sum3A_79 = arith.constant dense<0.000000e+00> : vector<512xf32>
    %reduce_sum3A_80 = vector.multi_reduction <add>, %mul3A_78, %reduce_sum3A_79 [1] : vector<512x128xf32> to vector<512xf32>
    %broadcast_in_dim3A_81 = vector.shape_cast %reduce_sum3A_80 : vector<512xf32> to vector<512x1xf32>
    %add3A_82 = arith.addf %add3A_73, %broadcast_in_dim3A_81 : vector<512x1xf32>
    %reduce_sum3A_83 = arith.constant dense<0.000000e+00> : vector<512xf32>
    %reduce_sum3A_84 = vector.multi_reduction <add>, %get3A_30, %reduce_sum3A_83 [1] : vector<512x128xf32> to vector<512xf32>
    %broadcast_in_dim3A_85 = vector.shape_cast %reduce_sum3A_84 : vector<512xf32> to vector<512x1xf32>
    %add3A_86 = arith.addf %add3A_77, %broadcast_in_dim3A_85 : vector<512x1xf32>
    %mul3A_87 = arith.mulf %get3A_30, %get3A_30 : vector<512x128xf32>
    %reduce_sum3A_88 = arith.constant dense<0.000000e+00> : vector<512xf32>
    %reduce_sum3A_89 = vector.multi_reduction <add>, %mul3A_87, %reduce_sum3A_88 [1] : vector<512x128xf32> to vector<512xf32>
    %broadcast_in_dim3A_90 = vector.shape_cast %reduce_sum3A_89 : vector<512xf32> to vector<512x1xf32>
    %add3A_91 = arith.addf %add3A_82, %broadcast_in_dim3A_90 : vector<512x1xf32>
    %reduce_sum3A_92 = arith.constant dense<0.000000e+00> : vector<512xf32>
    %reduce_sum3A_93 = vector.multi_reduction <add>, %get3A_35, %reduce_sum3A_92 [1] : vector<512x128xf32> to vector<512xf32>
    %broadcast_in_dim3A_94 = vector.shape_cast %reduce_sum3A_93 : vector<512xf32> to vector<512x1xf32>
    %add3A_95 = arith.addf %add3A_86, %broadcast_in_dim3A_94 : vector<512x1xf32>
    %mul3A_96 = arith.mulf %get3A_35, %get3A_35 : vector<512x128xf32>
    %reduce_sum3A_97 = arith.constant dense<0.000000e+00> : vector<512xf32>
    %reduce_sum3A_98 = vector.multi_reduction <add>, %mul3A_96, %reduce_sum3A_97 [1] : vector<512x128xf32> to vector<512xf32>
    %broadcast_in_dim3A_99 = vector.shape_cast %reduce_sum3A_98 : vector<512xf32> to vector<512x1xf32>
    %add3A_100 = arith.addf %add3A_91, %broadcast_in_dim3A_99 : vector<512x1xf32>
    %reduce_sum3A_101 = arith.constant dense<0.000000e+00> : vector<512xf32>
    %reduce_sum3A_102 = vector.multi_reduction <add>, %select_n3A, %reduce_sum3A_101 [1] : vector<512x128xf32> to vector<512xf32>
    %broadcast_in_dim3A_103 = vector.shape_cast %reduce_sum3A_102 : vector<512xf32> to vector<512x1xf32>
    %add3A_104 = arith.addf %add3A_95, %broadcast_in_dim3A_103 : vector<512x1xf32>
    %mul3A_105 = arith.mulf %select_n3A, %select_n3A : vector<512x128xf32>
    %reduce_sum3A_106 = arith.constant dense<0.000000e+00> : vector<512xf32>
    %reduce_sum3A_107 = vector.multi_reduction <add>, %mul3A_105, %reduce_sum3A_106 [1] : vector<512x128xf32> to vector<512xf32>
    %broadcast_in_dim3A_108 = vector.shape_cast %reduce_sum3A_107 : vector<512xf32> to vector<512x1xf32>
    %add3A_109 = arith.addf %add3A_100, %broadcast_in_dim3A_108 : vector<512x1xf32>
    %mul3A_110 = arith.mulf %add3A_104, %add3A_104 : vector<512x1xf32>
    %sub3A = arith.subf %mul3A_110, %add3A_109 : vector<512x1xf32>
    %mul3A_111 = arith.constant 5.000000e-01 : f32
    %mul3A_112 = vector.broadcast %mul3A_111 : f32 to vector<512x1xf32>
    %mul3A_113 = arith.mulf %mul3A_112, %sub3A : vector<512x1xf32>
    %get3A_114 = arith.constant 0 : index
    %get3A_115 = arith.constant 0 : index
    %get3A_116 = vector.load %arg4[%get3A_114, %get3A_115] : memref<256x32xf32, #tpu.memory_space<vmem>>, vector<256x32xf32>
    %dot_general3A_117 = arith.constant dense<0.000000e+00> : vector<512x256xf32>
    %dot_general3A_118 = tpu.matmul %dot_general3A_5, %get3A_116, %dot_general3A_117 {dimension_numbers = #tpu.dot_dimension_numbers<[1], [1], [0], [0], [0, 0, 1, 0], [], []>, transpose_lhs_hint = false} : vector<512x32xf32>, vector<256x32xf32>, vector<512x256xf32> -> vector<512x256xf32>
    %get3A_119 = arith.constant 0 : index
    %get3A_120 = arith.constant 0 : index
    %get3A_121 = vector.load %arg5[%get3A_119, %get3A_120] : memref<256x896xf32, #tpu.memory_space<vmem>>, vector<256x128xf32>
    %dot_general3A_122 = arith.constant dense<0.000000e+00> : vector<512x256xf32>
    %dot_general3A_123 = tpu.matmul %get3A_10, %get3A_121, %dot_general3A_122 {dimension_numbers = #tpu.dot_dimension_numbers<[1], [1], [0], [0], [0, 0, 1, 0], [], []>, transpose_lhs_hint = false} : vector<512x128xf32>, vector<256x128xf32>, vector<512x256xf32> -> vector<512x256xf32>
    %add3A_124 = arith.addf %dot_general3A_118, %dot_general3A_123 : vector<512x256xf32>
    %get3A_125 = arith.constant 0 : index
    %get3A_126 = arith.constant 128 : index
    %get3A_127 = vector.load %arg5[%get3A_125, %get3A_126] : memref<256x896xf32, #tpu.memory_space<vmem>>, vector<256x128xf32>
    %dot_general3A_128 = arith.constant dense<0.000000e+00> : vector<512x256xf32>
    %dot_general3A_129 = tpu.matmul %get3A_15, %get3A_127, %dot_general3A_128 {dimension_numbers = #tpu.dot_dimension_numbers<[1], [1], [0], [0], [0, 0, 1, 0], [], []>, transpose_lhs_hint = false} : vector<512x128xf32>, vector<256x128xf32>, vector<512x256xf32> -> vector<512x256xf32>
    %add3A_130 = arith.addf %add3A_124, %dot_general3A_129 : vector<512x256xf32>
    %get3A_131 = arith.constant 0 : index
    %get3A_132 = arith.constant 256 : index
    %get3A_133 = vector.load %arg5[%get3A_131, %get3A_132] : memref<256x896xf32, #tpu.memory_space<vmem>>, vector<256x128xf32>
    %dot_general3A_134 = arith.constant dense<0.000000e+00> : vector<512x256xf32>
    %dot_general3A_135 = tpu.matmul %get3A_20, %get3A_133, %dot_general3A_134 {dimension_numbers = #tpu.dot_dimension_numbers<[1], [1], [0], [0], [0, 0, 1, 0], [], []>, transpose_lhs_hint = false} : vector<512x128xf32>, vector<256x128xf32>, vector<512x256xf32> -> vector<512x256xf32>
    %add3A_136 = arith.addf %add3A_130, %dot_general3A_135 : vector<512x256xf32>
    %get3A_137 = arith.constant 0 : index
    %get3A_138 = arith.constant 384 : index
    %get3A_139 = vector.load %arg5[%get3A_137, %get3A_138] : memref<256x896xf32, #tpu.memory_space<vmem>>, vector<256x128xf32>
    %dot_general3A_140 = arith.constant dense<0.000000e+00> : vector<512x256xf32>
    %dot_general3A_141 = tpu.matmul %get3A_25, %get3A_139, %dot_general3A_140 {dimension_numbers = #tpu.dot_dimension_numbers<[1], [1], [0], [0], [0, 0, 1, 0], [], []>, transpose_lhs_hint = false} : vector<512x128xf32>, vector<256x128xf32>, vector<512x256xf32> -> vector<512x256xf32>
    %add3A_142 = arith.addf %add3A_136, %dot_general3A_141 : vector<512x256xf32>
    %get3A_143 = arith.constant 0 : index
    %get3A_144 = arith.constant 512 : index
    %get3A_145 = vector.load %arg5[%get3A_143, %get3A_144] : memref<256x896xf32, #tpu.memory_space<vmem>>, vector<256x128xf32>
    %dot_general3A_146 = arith.constant dense<0.000000e+00> : vector<512x256xf32>
    %dot_general3A_147 = tpu.matmul %get3A_30, %get3A_145, %dot_general3A_146 {dimension_numbers = #tpu.dot_dimension_numbers<[1], [1], [0], [0], [0, 0, 1, 0], [], []>, transpose_lhs_hint = false} : vector<512x128xf32>, vector<256x128xf32>, vector<512x256xf32> -> vector<512x256xf32>
    %add3A_148 = arith.addf %add3A_142, %dot_general3A_147 : vector<512x256xf32>
    %get3A_149 = arith.constant 0 : index
    %get3A_150 = arith.constant 640 : index
    %get3A_151 = vector.load %arg5[%get3A_149, %get3A_150] : memref<256x896xf32, #tpu.memory_space<vmem>>, vector<256x128xf32>
    %dot_general3A_152 = arith.constant dense<0.000000e+00> : vector<512x256xf32>
    %dot_general3A_153 = tpu.matmul %get3A_35, %get3A_151, %dot_general3A_152 {dimension_numbers = #tpu.dot_dimension_numbers<[1], [1], [0], [0], [0, 0, 1, 0], [], []>, transpose_lhs_hint = false} : vector<512x128xf32>, vector<256x128xf32>, vector<512x256xf32> -> vector<512x256xf32>
    %add3A_154 = arith.addf %add3A_148, %dot_general3A_153 : vector<512x256xf32>
    %get3A_155 = arith.constant 0 : index
    %get3A_156 = arith.constant 768 : index
    %get3A_157 = vector.load %arg5[%get3A_155, %get3A_156] : memref<256x896xf32, #tpu.memory_space<vmem>>, vector<256x128xf32>
    %dot_general3A_158 = arith.constant dense<0.000000e+00> : vector<512x256xf32>
    %dot_general3A_159 = tpu.matmul %select_n3A, %get3A_157, %dot_general3A_158 {dimension_numbers = #tpu.dot_dimension_numbers<[1], [1], [0], [0], [0, 0, 1, 0], [], []>, transpose_lhs_hint = false} : vector<512x128xf32>, vector<256x128xf32>, vector<512x256xf32> -> vector<512x256xf32>
    %add3A_160 = arith.addf %add3A_154, %dot_general3A_159 : vector<512x256xf32>
    %max3A = arith.constant 0.000000e+00 : f32
    %max3A_161 = vector.broadcast %max3A : f32 to vector<512x256xf32>
    %max3A_162 = arith.maximumf %add3A_160, %max3A_161 : vector<512x256xf32>
    %get3A_163 = arith.constant 0 : index
    %get3A_164 = arith.constant 0 : index
    %get3A_165 = vector.load %arg6[%get3A_163, %get3A_164] : memref<128x256xf32, #tpu.memory_space<vmem>>, vector<128x256xf32>
    %dot_general3A_166 = arith.constant dense<0.000000e+00> : vector<512x128xf32>
    %dot_general3A_167 = tpu.matmul %max3A_162, %get3A_165, %dot_general3A_166 {dimension_numbers = #tpu.dot_dimension_numbers<[1], [1], [0], [0], [0, 0, 1, 0], [], []>, transpose_lhs_hint = false} : vector<512x256xf32>, vector<128x256xf32>, vector<512x128xf32> -> vector<512x128xf32>
    %max3A_168 = arith.constant 0.000000e+00 : f32
    %max3A_169 = vector.broadcast %max3A_168 : f32 to vector<512x128xf32>
    %max3A_170 = arith.maximumf %dot_general3A_167, %max3A_169 : vector<512x128xf32>
    %get3A_171 = arith.constant 0 : index
    %get3A_172 = arith.constant 0 : index
    %get3A_173 = vector.load %arg7[%get3A_171, %get3A_172] : memref<1x32xf32, #tpu.memory_space<vmem>>, vector<1x32xf32>
    %dot_general3A_174 = arith.constant dense<0.000000e+00> : vector<512x1xf32>
    %dot_general3A_175 = tpu.matmul %dot_general3A_5, %get3A_173, %dot_general3A_174 {dimension_numbers = #tpu.dot_dimension_numbers<[1], [1], [0], [0], [0, 0, 1, 0], [], []>, transpose_lhs_hint = false} : vector<512x32xf32>, vector<1x32xf32>, vector<512x1xf32> -> vector<512x1xf32>
    %get3A_176 = arith.constant 0 : index
    %get3A_177 = arith.constant 0 : index
    %get3A_178 = vector.load %arg8[%get3A_176, %get3A_177] : memref<1x1xf32, #tpu.memory_space<vmem>>, vector<1x1xf32>
    %get3A_179 = vector.extract %get3A_178[0, 0] : f32 from vector<1x1xf32>
    %mul3A_180 = vector.broadcast %get3A_179 : f32 to vector<512x1xf32>
    %mul3A_181 = arith.mulf %mul3A_113, %mul3A_180 : vector<512x1xf32>
    %add3A_182 = arith.addf %dot_general3A_175, %mul3A_181 : vector<512x1xf32>
    %get3A_183 = arith.constant 0 : index
    %get3A_184 = arith.constant 0 : index
    %get3A_185 = vector.load %arg9[%get3A_183, %get3A_184] : memref<1x128xf32, #tpu.memory_space<vmem>>, vector<1x128xf32>
    %dot_general3A_186 = arith.constant dense<0.000000e+00> : vector<512x1xf32>
    %dot_general3A_187 = tpu.matmul %max3A_170, %get3A_185, %dot_general3A_186 {dimension_numbers = #tpu.dot_dimension_numbers<[1], [1], [0], [0], [0, 0, 1, 0], [], []>, transpose_lhs_hint = false} : vector<512x128xf32>, vector<1x128xf32>, vector<512x1xf32> -> vector<512x1xf32>
    %add3A_188 = arith.addf %add3A_182, %dot_general3A_187 : vector<512x1xf32>
    %get3A_189 = arith.constant 0 : index
    %get3A_190 = arith.constant 0 : index
    %get3A_191 = vector.load %arg10[%get3A_189, %get3A_190] : memref<1x1xf32, #tpu.memory_space<vmem>>, vector<1x1xf32>
    %get3A_192 = vector.extract %get3A_191[0, 0] : f32 from vector<1x1xf32>
    %add3A_193 = vector.broadcast %get3A_192 : f32 to vector<512x1xf32>
    %add3A_194 = arith.addf %add3A_188, %add3A_193 : vector<512x1xf32>
    %swap3A = arith.constant 0 : index
    %swap3A_195 = arith.constant 0 : index
    %swap3A_196 = vector.load %arg11[%swap3A, %swap3A_195] : memref<512x1xf32, #tpu.memory_space<vmem>>, vector<512x1xf32>
    tpu.vector_store %arg11[%swap3A, %swap3A_195], %add3A_194 {strides = array<i32>} : memref<512x1xf32, #tpu.memory_space<vmem>>, vector<512x1xf32>,
    return
  }
  func.func @transform_0(%arg0: i32) -> (i32, i32) {
    %c0_i32 = arith.constant 0 : i32
    %c0_i32_0 = arith.constant 0 : i32
    return %arg0, %c0_i32 : i32, i32
  }
  func.func @transform_1(%arg0: i32) -> (i32, i32, i32) {
    %c0_i32 = arith.constant 0 : i32
    %c0_i32_0 = arith.constant 0 : i32
    %c0_i32_1 = arith.constant 0 : i32
    return %arg0, %c0_i32, %c0_i32_0 : i32, i32, i32
  }
  func.func @transform_2(%arg0: i32) -> (i32, i32) {
    %c0_i32 = arith.constant 0 : i32
    %c0_i32_0 = arith.constant 0 : i32
    %c0_i32_1 = arith.constant 0 : i32
    return %c0_i32, %c0_i32_0 : i32, i32
  }
  func.func @transform_3(%arg0: i32) -> (i32, i32) {
    %c0_i32 = arith.constant 0 : i32
    %c0_i32_0 = arith.constant 0 : i32
    %c0_i32_1 = arith.constant 0 : i32
    return %c0_i32, %c0_i32_0 : i32, i32
  }
  func.func @transform_4(%arg0: i32) -> (i32, i32) {
    %c0_i32 = arith.constant 0 : i32
    %c0_i32_0 = arith.constant 0 : i32
    %c0_i32_1 = arith.constant 0 : i32
    return %c0_i32, %c0_i32_0 : i32, i32
  }
  func.func @transform_5(%arg0: i32) -> (i32, i32) {
    %c0_i32 = arith.constant 0 : i32
    %c0_i32_0 = arith.constant 0 : i32
    %c0_i32_1 = arith.constant 0 : i32
    return %c0_i32, %c0_i32_0 : i32, i32
  }
  func.func @transform_6(%arg0: i32) -> (i32, i32) {
    %c0_i32 = arith.constant 0 : i32
    %c0_i32_0 = arith.constant 0 : i32
    %c0_i32_1 = arith.constant 0 : i32
    return %c0_i32, %c0_i32_0 : i32, i32
  }
  func.func @transform_7(%arg0: i32) -> (i32, i32) {
    %c0_i32 = arith.constant 0 : i32
    %c0_i32_0 = arith.constant 0 : i32
    %c0_i32_1 = arith.constant 0 : i32
    return %c0_i32, %c0_i32_0 : i32, i32
  }
  func.func @transform_8(%arg0: i32) -> (i32, i32) {
    %c0_i32 = arith.constant 0 : i32
    %c0_i32_0 = arith.constant 0 : i32
    %c0_i32_1 = arith.constant 0 : i32
    return %c0_i32, %c0_i32_0 : i32, i32
  }
  func.func @transform_9(%arg0: i32) -> (i32, i32) {
    %c0_i32 = arith.constant 0 : i32
    %c0_i32_0 = arith.constant 0 : i32
    %c0_i32_1 = arith.constant 0 : i32
    return %c0_i32, %c0_i32_0 : i32, i32
  }
  func.func @transform_10(%arg0: i32) -> (i32, i32) {
    %c0_i32 = arith.constant 0 : i32
    %c0_i32_0 = arith.constant 0 : i32
    return %arg0, %c0_i32 : i32, i32
  }
}

</mosaic_0001>

<sc_bundles>
// kernel: kernel.4.cloned.1.call-start
scs
__scs_entry_jumppad:
0x0: {  	(pc) =	sbr.rel $0x88, $3  }
0x1: {  	(tag) =	ssettag $0x0;
	lr =	simm.s32 $0x1  }
0x2: {  	[smem:$0x3F99] =	sst lr;
	_ =	strace $0xD0000000  }
0x3: {  	_ = 	snop  }
0x4: {  	_ = 	snop  }
0x5: {  	_ = 	snop  }
0x6: {  	_ = 	snop  }
0x7: {  	_ = 	snop  }
__scs_overlays_trampoline_lowered:
0x8: {  	[smem:$0x3FA8] =	sst s0  }
0x9: {  	[smem:$0x3FA9] =	sst s1  }
0xa: {  	[smem:$0x3FAA] =	sst s2  }
0xb: {  	[smem:$0x3FAB] =	sst s3  }
0xc: {  	[smem:$0x3FAC] =	sst s4  }
0xd: {  	[smem:$0x3FAD] =	sst s5  }
0xe: {  	[smem:$0x3FAE] =	sst s6  }
0xf: {  	[smem:$0x3FAF] =	sst s7  }
0x10: {  	[smem:$0x3FB0] =	sst s8  }
0x11: {  	[smem:$0x3FB1] =	sst s9;
	s0 =	simm.s32 @!p0 $0x0  }
0x12: {  	s1 =	sld [smem:$0x3F97];
	s0 =	simm.s32 @p0 $0x1  }
0x13: {  	[smem:$0x3FB2] =	sst s0;
	s0 =	simm.s32 @!p1 $0x0  }
0x14: {  	s2 =	sld [smem:$0x3F96];
	s0 =	simm.s32 @p1 $0x1  }
0x15: {  	[smem:$0x3FB3] =	sst s0;
	s0 =	simm.s32 @!p2 $0x0  }
0x16: {  	s3 =	sld [smem:$0x3FDB];
	s0 =	simm.s32 @p2 $0x1  }
0x17: {  	s4 =	simm.s32 $0x1BF5;
	[smem:$0x3FB5] =	sst s0  }
0x18: {  	s0 =	sld [smem:$0x3F98];
	_ =	swait.ge [sflag:s4], $0x0  }
0x19: {  	s7 =	sld [smem:$0x3F99]  }
0x1a: {  	s8 =	sadd.s32 $0xFFFFE003, lr  }
0x1b: {  	s9 =	sadd.s32 $0xFFFFFEF7, lr;
	s5 =	simm.s32 $0xFFFFFFFF;
	p2 =	slt.u32 s8, $0xFFFFF086  }
0x1c: {  	p1 =	slt.u32 s9, $0xF7A;
	s5 =	simm.s32 @!p2 $0x0  }
0x1d: {  	s5 =	simm.s32 @p1 $0x1;
	p0 =	seq.s32 s7, s2  }
0x1e: {  	s7 =	smul.u32 @!p0 $0xF7A, s2;
	p2 =	seq.s32 @!p0 s5, $0x0  }
0x1f: {  	s9 =	smul.u32 $0xF7A, s1;
	s8 =	simm.s32 @!p0 $0x1BF5;
	p2 =	por !p2, p0  }
0x20: {  	[sflag:s8] =	ssyncset.s32 @!p0 $0xFFFFF086;
	s6 =	sadd.s32 @!p0 s3, s7;
	s7 =	simm.s32 @!p0 $0x108  }
0x21: {  	s3 =	sadd.s32 s3, s9;
	s6 =	sadd.s32 @!p0 $0x88, s6;
	s7 =	simm.s32 @p2 $0x1082  }
0x22: {  	[simem:s7], [sflag:s8] =	dma.local @!p0 [hbm:s6], $0xF7A  }
0x23: {  	s9 =	sor.u32 $0xD0000000, s2;
	s6 =	simm.s32 $0x108;
	_ =	swait.ge @!p0 [sflag:s8], $0x0  }
0x24: {  	s3 =	sadd.s32 $0x88, s3;
	s6 =	simm.s32 @!p1 $0x1082;
	[sflag:s4] =	ssyncset.s32 $0xFFFFF086  }
0x25: {  	[simem:s6], [sflag:s4] =	dma.local [hbm:s3], $0xF7A  }
0x26: {  	[smem:$0x3F99] =	sst s1;
	(tag) =	ssettag s2;
	_ =	strace s9  }
0x27: {  	s1 =	sld [smem:$0x3FA9]  }
0x28: {  	s2 =	sld [smem:$0x3FAA]  }
0x29: {  	s4 =	sld [smem:$0x3FAC]  }
0x2a: {  	p0 =	seq.s32 s5, $0x0;
	s5 =	sld [smem:$0x3FAD]  }
0x2b: {  	s6 =	sld [smem:$0x3FAE]  }
0x2c: {  	s7 =	sld [smem:$0x3FAF]  }
0x2d: {  	s3 =	simm.s32 $0x108;
	s8 =	sld [smem:$0x3FB0]  }
0x2e: {  	s3 =	simm.s32 @!p0 $0x1082;
	s9 =	sld [smem:$0x3FB1]  }
0x2f: {  	lr =	sadd.s32 s0, s3;
	s0 =	sld [smem:$0x3FA8]  }
0x30: {  	s3 =	sld [smem:$0x3FAB]  }
0x31: {  	[smem:$0x3FB4] =	sst s10  }
0x32: {  	s10 =	sld [smem:$0x3FB2];
	_ =	sdelay $0x3  }
0x33: {  	p0 =	seq.s32 s10, $0x1;
	s10 =	sld [smem:$0x3FB4];
	_ =	sdelay $0x3  }
0x34: {  	[smem:$0x3FB4] =	sst s10  }
0x35: {  	s10 =	sld [smem:$0x3FB3];
	_ =	sdelay $0x3  }
0x36: {  	p1 =	seq.s32 s10, $0x1;
	s10 =	sld [smem:$0x3FB4];
	_ =	sdelay $0x3  }
0x37: {  	[smem:$0x3FB4] =	sst s10  }
0x38: {  	s10 =	sld [smem:$0x3FB5]  }
0x39: {  	_ = 	snop;
	(pc) =	sbr.ind lr, $3  }
0x3a: {  	_ = 	snop  }
0x3b: {  	_ = 	snop  }
0x3c: {  	p2 =	seq.s32 s10, $0x1;
	s10 =	sld [smem:$0x3FB4]  }
0x3d: {  	_ =	shalt  }
0x3e: {  	_ =	shalt  }
0x3f: {  	_ =	shalt  }
0x40: {  	_ =	shalt  }
0x41: {  	_ =	shalt  }
0x42: {  	_ =	shalt  }
0x43: {  	_ =	shalt  }
0x44: {  	_ =	shalt  }
0x45: {  	_ =	shalt  }
0x46: {  	_ =	shalt  }
0x47: {  	_ =	shalt  }
0x48: {  	_ =	shalt  }
0x49: {  	_ =	shalt  }
0x4a: {  	_ =	shalt  }
0x4b: {  	_ =	shalt  }
0x4c: {  	_ =	shalt  }
0x4d: {  	_ =	shalt  }
0x4e: {  	_ =	shalt  }
0x4f: {  	_ =	shalt  }
0x50: {  	_ =	shalt  }
0x51: {  	_ =	shalt  }
0x52: {  	_ =	shalt  }
0x53: {  	_ =	shalt  }
0x54: {  	_ =	shalt  }
0x55: {  	_ =	shalt  }
0x56: {  	_ =	shalt  }
0x57: {  	_ =	shalt  }
0x58: {  	_ =	shalt  }
0x59: {  	_ =	shalt  }
0x5a: {  	_ =	shalt  }
0x5b: {  	_ =	shalt  }
0x5c: {  	_ =	shalt  }
0x5d: {  	_ =	shalt  }
0x5e: {  	_ =	shalt  }
0x5f: {  	_ =	shalt  }
0x60: {  	_ =	shalt  }
0x61: {  	_ =	shalt  }
0x62: {  	_ =	shalt  }
0x63: {  	_ =	shalt  }
0x64: {  	_ =	shalt  }
0x65: {  	_ =	shalt  }
0x66: {  	_ =	shalt  }
0x67: {  	_ =	shalt  }
0x68: {  	_ =	shalt  }
0x69: {  	_ =	shalt  }
0x6a: {  	_ =	shalt  }
0x6b: {  	_ =	shalt  }
0x6c: {  	_ =	shalt  }
0x6d: {  	_ =	shalt  }
0x6e: {  	_ =	shalt  }
0x6f: {  	_ =	shalt  }
0x70: {  	_ =	shalt  }
0x71: {  	_ =	shalt  }
0x72: {  	_ =	shalt  }
0x73: {  	_ =	shalt  }
0x74: {  	_ =	shalt  }
0x75: {  	_ =	shalt  }
0x76: {  	_ =	shalt  }
0x77: {  	_ =	shalt  }
0x78: {  	_ =	shalt  }
0x79: {  	_ =	shalt  }
0x7a: {  	_ =	shalt  }
0x7b: {  	_ =	shalt  }
0x7c: {  	_ =	shalt  }
0x7d: {  	_ =	shalt  }
0x7e: {  	_ =	shalt  }
0x7f: {  	_ =	shalt  }
0x80: {  	_ =	shalt  }
0x81: {  	_ =	shalt  }
0x82: {  	_ =	shalt  }
0x83: {  	_ =	shalt  }
0x84: {  	_ =	shalt  }
0x85: {  	_ =	shalt  }
0x86: {  	_ =	shalt  }
0x87: {  	_ =	shalt  }
.Lfunc_end0:
.L_simem_size_0:
called_computation_lowered:
.L_overlay_start_0:
0x88: {  	s2 =	sld [smem:$0x3FD9]  }
0x89: {  	s3 =	sld [smem:$0x3FFE];
	_ =	sdelay $0x1  }
0x8a: {  	s1 =	srdreg.scid  }
0x8b: {  	s0 =	sand.u32 $0x1, s1  }
0x8c: {  	s16 =	sshll.u32 s0, $0xA;
	s2 =	sadd.s32 s3, s2  }
0x8d: {  	s2 =	sadd.s32 s2, s16  }
0x8e: {  	[smem:$0x3FC0] =	sst s2  }
0x8f: {  	_ = 	snop  }
0x90: {  	(tm) =	ssettm $0x1  }
0x91: {  	s17 =	sld [smem:$0x3FFB];
	_ =	sdelay $0x3  }
0x92: {  	_ =	strace s17  }
0x93: {  	s2 =	sld [smem:$0x3FFC];
	_ =	sdelay $0x3  }
0x94: {  	_ =	strace s2  }
0x95: {  	s2 =	sld [smem:$0x3FFD];
	_ =	sdelay $0x3  }
0x96: {  	_ =	strace s2  }
0x97: {  	_ =	strace $0x8FFFFFFF  }
0x98: {  	s18 =	sld [smem:$0x3FDB];
	_ =	sdelay $0x1  }
0x99: {  	s19 =	simm.s32 $_scs_section_size  }
0x9a: {  	s4 =	simm.s32 $_size__tile_overlayer_lowered;
	s5 =	simm.s32 $_tile_overlayer_lowered  }
0x9b: {  	s22 =	simm.s32 $0x1BFF;
	s21 =	sshll.u32 s5, $0x1;
	s2 =	sadd.s32 s19, s18  }
0x9c: {  	s6 =	simm.s32 $0x0;
	s20 =	sshll.u32 s4, $0x1;
	s4 =	sadd.s32 s21, s2  }
0x9d: {  	[timem:s6], [sflag:s22] =	dma.local [hbm:s4], s20  }
0x9e: {  	_ =	swait.ge [sflag:s22], s20  }
0x9f: {  	s3 =	ssub.s32 $0x0, s20;
	[sflag:s22] =	ssyncset.done $0x0  }
0xa0: {  	[sflag:s22] =	ssyncadd.s32 s3;
	_ =	sdelay $0x1  }
0xa1: {  	s23 =	simm.s32 $0x1B8B  }
0xa2: {  	_ =	swait.ge [sflag:s23], $0x1  }
0xa3: {  	[sflag:s23] =	ssyncset.done $0x0  }
0xa4: {  	s25 =	simm.s32 $0x1B8E;
	s24 =	sld [smem:$0x3FFE];
	[sflag:s23] =	ssyncadd.s32 $0xFFFFFFFF  }
0xa5: {  	s26 =	simm.s32 $execute0_lowered;
	[smem:$0x3FD2] =	sst s25  }
0xa6: {  	s4 =	sshll.u32 s26, $0x1;
	_ =	strace $0x80000046;
	[dreg:$0x1] =	wrdreg $0xFFFFFFFF  }
0xa7: {  	s28 =	simm.s32 $_size_execute0_lowered;
	s2 =	sadd.s32 s2, s4;
	[dreg:$0x0] =	wrdreg $0x0  }
0xa8: {  	s4 =	sshll.u32 s28, $0x1;
	[dreg:$0x2] =	wrdreg s2  }
0xa9: {  	[dreg:$0x3] =	wrdreg s4  }
0xaa: {  	[dreg:$0x4] =	wrdreg $0xC0  }
0xab: {  	_ =	task [dreg:s6], $0x5FFFF  }
0xac: {  	[dreg:$0x1] =	wrdreg $0xFFFFFFFF  }
0xad: {  	[dreg:$0x0] =	wrdreg $0x60  }
0xae: {  	[dreg:$0x2] =	wrdreg s24  }
0xaf: {  	[dreg:$0x3] =	wrdreg $0x9  }
0xb0: {  	_ =	task.clear_ibuf [dreg:s6], $0x4FFFF;
	_ =	strace $0x90000046  }
0xb1: {  	s29 =	simm.s32 $0x9;
	_ =	strace $0x80000048  }
0xb2: {  	_ =	swait.ge [sflag:s29], $0x1  }
0xb3: {  	[sflag:s29] =	ssyncadd.s32 $0xFFFFFFFF  }
0xb4: {  	_ =	strace $0x90000048  }
0xb5: {  	_ =	sfence  }
0xb6: {  	s30 =	sld [smem:$0x0];
	_ =	sdelay $0x2  }
0xb7: {  	s31 =	sshll.u32 s1, $0xD;
	s1 =	sshrl.u32 s1, $0x2  }
0xb8: {  	s3 =	sand.u32 $0x4000, s31;
	s1 =	sadd.s32 s1, s30  }
0xb9: {  	s0 =	sor.u32 s3, s0;
	s1 =	sshll.u32 s1, $0x11  }
0xba: {  	s0 =	sor.u32 s1, s0  }
0xbb: {  	s0 =	sadd.s32 $0x8F2B, s0  }
0xbc: {  	[sflag:s0] =	ssyncadd.remote.s32 $0x1  }
0xbd: {  	_ =	sfence.sel $0xFFFF  }
0xbe: {  	[dreg:$0x0] =	wrdreg $0xFFFFFFFF;
	(pc) =	sbr.abs _section_cstart, $3  }
0xbf: {  	[dreg:$0x1] =	wrdreg $0xFFFFFFFF  }
0xc0: {  	_ =	task.clear_ibuf [dreg:s6], $0x2FFFF;
	_ =	strace $0x9FFFFFFF  }
0xc1: {  	(tm) =	ssettm $0x7FFFFFFF  }
tec
execute0_lowered:
.L_overlay_start_1:
0x0: {  	(tag) =	ssettag $0x1  }
0x1: {  	s4 =	rddreg [dreg:$0x0]  }
0x2: {  	s0 =	rddreg [dreg:$0x1];
	s3 =	srdreg.scid  }
0x3: {  	s2 =	simm.s32 $0x0;
	s1 =	stileid.u32;
	s10 =	simm.s32 $0x1200  }
0x4: {  	s11 =	simm.s32 $0x100;
	s12 =	simm.s32 $0x2200;
	s13 =	simm.s32 $0x180  }
0x5: {  	s14 =	simm.s32 $0x3200;
	s15 =	simm.s32 $0x1;
	s16 =	simm.s32 $0x20  }
0x6: {  	s17 =	simm.s32 $0x400;
	s18 =	simm.s32 $0x0;
	s5 =	sand.u32 $0x1, s3  }
0x7: {  	[smem:$0x7FF] =	sst s2;
	s6 =	sshll.u32 s1, $0xA;
	s3 =	sadd.s32 $0x27ADC00, s4  }
0x8: {  	s30 =	sshll.u32 s1, $0x11;
	s7 =	sshll.u32 s5, $0x9;
	_ =	strace $0x80000047  }
0x9: {  	s8 =	ssub.s32 $0x2, s5;
	s5 =	sshll.u32 s5, $0x10;
	s6 =	sor.u32 s7, s6  }
0xa: {  	s7 =	sadd.s32 s30, s4;
	s9 =	sshrl.u32 s8, $0x1;
	s6 =	sshrl.u32 s6, $0x3  }
0xb: {  	s31 =	ssub.s32 s8, s9;
	s7 =	sadd.s32 s5, s7;
	s8 =	simm.s32 $0x80  }
0xc: {  	s9 =	simm.s32 $0x200;
	s6 =	sadd.s32 s6, s4;
	s4 =	smax.u32 s31, $0x1  }
0xd: {  	s5 =	sadd.s32 $0x1800, s6;
	s6 =	sadd.s32 $0xE800, s7;
	s7 =	simm.s32 $0x2  }
.LBB2_1:
0xe: {  	[tilespmem:s2], [sflag:$0x2] =	stream.linear.gather [hbm4b:s5+s2], $0x200, $0x38;
	[tilespmem:$0x4200] =	vst v63  }
0xf: {  	_ =	swait.ge [sflag:s7], $0x200  }
0x10: {  	[sflag:s7] =	ssyncset.done $0x0  }
0x11: {  	[sflag:s7] =	ssyncadd.s32 $0xFFFFFE00  }
0x12: {  	[tilespmem:s9], [sflag:$0x1] =	stream.indirect.gather [hbm4b:s3+s8], $0x20, s2, s8, $0xb8;
	[tilespmem:$0x4200] =	vst v63  }
0x13: {  	_ = 	snop  }
0x14: {  	[tilespmem:s10], [sflag:$0x1] =	stream.indirect.gather [hbm4b:s3+s8], $0x20, s8, s8, $0xb8;
	[tilespmem:$0x4200] =	vst v63  }
0x15: {  	_ = 	snop  }
0x16: {  	[tilespmem:s12], [sflag:$0x1] =	stream.indirect.gather [hbm4b:s3+s8], $0x20, s11, s8, $0xb8;
	[tilespmem:$0x4200] =	vst v63  }
0x17: {  	_ = 	snop  }
0x18: {  	[tilespmem:s14], [sflag:$0x1] =	stream.indirect.gather [hbm4b:s3+s8], $0x20, s13, s8, $0xb8;
	[tilespmem:$0x4200] =	vst v63  }
0x19: {  	_ =	swait.ge [sflag:s15], $0x1000  }
0x1a: {  	[sflag:s15] =	ssyncset.done $0x0  }
0x1b: {  	[sflag:s15] =	ssyncadd.s32 $0xFFFFF000  }
0x1c: {  	_ =	swait.ge [sflag:s15], $0x1000  }
0x1d: {  	[sflag:s15] =	ssyncset.done $0x0  }
0x1e: {  	[sflag:s15] =	ssyncadd.s32 $0xFFFFF000  }
0x1f: {  	_ =	swait.ge [sflag:s15], $0x1000  }
0x20: {  	[sflag:s15] =	ssyncset.done $0x0  }
0x21: {  	[sflag:s15] =	ssyncadd.s32 $0xFFFFF000  }
0x22: {  	_ =	swait.ge [sflag:s15], $0x1000  }
0x23: {  	[sflag:s15] =	ssyncset.done $0x0  }
0x24: {  	s19 =	sadd.s32 $0x0, s6;
	[sflag:s15] =	ssyncadd.s32 $0xFFFFF000  }
0x25: {  	[hbm4b:s19+s16] =	stream.strided.scatter [tilespmem:s9], [sflag:$0x2], $0x4000, s17, s16, $0x38;
	[tilespmem:$0x4200] =	vst v63  }
0x26: {  	_ =	swait.ge [sflag:s7], $0x4000  }
0x27: {  	s20 =	smov.u32 s5;
	s19 =	simm.s32 $0x4;
	[sflag:s7] =	ssyncset.done $0x0  }
.LBB2_2:
0x28: {  	p0 =	sne.s32 s19, $0x64;
	[sflag:s7] =	ssyncadd.s32 $0xFFFFC000;
	s20 =	sadd.s32 $0x800, s20  }
0x29: {  	[tilespmem:s2], [sflag:$0x2] =	stream.linear.gather [hbm4b:s20+s2], $0x200, $0x38;
	[tilespmem:$0x4200] =	vst v63  }
0x2a: {  	s21 =	smov.u32 s19;
	s19 =	sadd.s32 $0x4, s19;
	_ =	swait.ge [sflag:s7], $0x200  }
0x2b: {  	[sflag:s7] =	ssyncset.done $0x0  }
0x2c: {  	[sflag:s7] =	ssyncadd.s32 $0xFFFFFE00  }
0x2d: {  	[tilespmem:s9], [sflag:$0x1] =	stream.indirect.gather [hbm4b:s3+s8], $0x20, s2, s8, $0xb8;
	[tilespmem:$0x4200] =	vst v63  }
0x2e: {  	_ = 	snop  }
0x2f: {  	[tilespmem:s10], [sflag:$0x1] =	stream.indirect.gather [hbm4b:s3+s8], $0x20, s8, s8, $0xb8;
	[tilespmem:$0x4200] =	vst v63  }
0x30: {  	_ = 	snop  }
0x31: {  	[tilespmem:s12], [sflag:$0x1] =	stream.indirect.gather [hbm4b:s3+s8], $0x20, s11, s8, $0xb8;
	[tilespmem:$0x4200] =	vst v63  }
0x32: {  	_ = 	snop  }
0x33: {  	[tilespmem:s14], [sflag:$0x1] =	stream.indirect.gather [hbm4b:s3+s8], $0x20, s13, s8, $0xb8;
	[tilespmem:$0x4200] =	vst v63  }
0x34: {  	_ =	swait.ge [sflag:s15], $0x1000  }
0x35: {  	[sflag:s15] =	ssyncset.done $0x0  }
0x36: {  	[sflag:s15] =	ssyncadd.s32 $0xFFFFF000  }
0x37: {  	_ =	swait.ge [sflag:s15], $0x1000  }
0x38: {  	[sflag:s15] =	ssyncset.done $0x0  }
0x39: {  	[sflag:s15] =	ssyncadd.s32 $0xFFFFF000  }
0x3a: {  	_ =	swait.ge [sflag:s15], $0x1000  }
0x3b: {  	[sflag:s15] =	ssyncset.done $0x0  }
0x3c: {  	[sflag:s15] =	ssyncadd.s32 $0xFFFFF000  }
0x3d: {  	_ =	swait.ge [sflag:s15], $0x1000  }
.Ltmp0:
0x3e: {  	[sflag:s15] =	ssyncset.done $0x0;
	(pc) =	sbr.rel @p0 .LBB2_2-.Ltmp0, $4  }
0x3f: {  	s21 =	sadd.s32 s21, s6;
	[sflag:s15] =	ssyncadd.s32 $0xFFFFF000  }
0x40: {  	[hbm4b:s21+s16] =	stream.strided.scatter [tilespmem:s9], [sflag:$0x2], $0x4000, s17, s16, $0x38;
	[tilespmem:$0x4200] =	vst v63  }
0x41: {  	_ =	swait.ge [sflag:s7], $0x4000  }
0x42: {  	[sflag:s7] =	ssyncset.done $0x0  }
0x43: {  	s18 =	sadd.s32 $0x1, s18  }
0x44: {  	p0 =	sne.s32 s18, s4  }
.Ltmp1:
0x45: {  	_ = 	snop;
	(pc) =	sbr.rel @p0 .LBB2_1-.Ltmp1, $2  }
0x46: {  	_ =	sdelay $0x2  }
0x47: {  	[sflag:s7] =	ssyncadd.s32 $0xFFFFC000  }
0x48: {  	_ =	sfence.sel $0x180000  }
0x49: {  	[bflag:$0x0] =	sbarrier.arrive $0xFFFF  }
0x4a: {  	p0 =	sne.s32 s1, $0x0;
	_ =	strace $0x90000047  }
0x4b: {  	s0 =	sadd.s32 @!p0 $0x100000, s0;
	[bflag:$0x2] =	sbarrier.arrive $0xFFFF  }
0x4c: {  	[sflag:s0] =	ssyncadd.tile.s32 @!p0 $0x1;
	_ =	shalt  }
.Lfunc_end2:
_tile_overlayer_lowered:
.L_overlay_start_2:
0x4d: {  	(tag) =	ssettag $0x2  }
0x4e: {  	s0 =	rddreg [dreg:$0x0];
	s2 =	stileid.u32  }
0x4f: {  	s1 =	rddreg [dreg:$0x1];
	p0 =	sne.s32 s2, $0x0  }
0x50: {  	s3 =	rddreg [dreg:$0x2];
	[bflag:$0x3] =	sbarrier.arrive $0xFFFF;
	s2 =	simm.s32 @!p0 $0x1C02  }
0x51: {  	[timem:s3], [sflag:s2] =	dma.local @!p0 [hbm:s0], s1  }
0x52: {  	s0 =	simm.s32 @!p0 $0x2  }
0x53: {  	_ =	swait.ge @!p0 [sflag:s0], s1  }
0x54: {  	s1 =	ssub.s32 @!p0 $0x0, s1;
	[sflag:s0] =	ssyncset.done @!p0 $0x0  }
0x55: {  	[sflag:s0] =	ssyncadd.s32 @!p0 s1  }
0x56: {  	[bflag:$0x3] =	sbarrier.arrive $0xFFFF  }
0x57: {  	_ =	shalt  }

</sc_bundles>
